<compile_context>
chip_gen: v7x
topology: tpu7x:2x2x1
jax: 0.10.2.dev20260603
libtpu: 0.0.44.dev20260713+nightly
codegen_flags: <defaults>
</compile_context>

<pallas_src>
import functools
import math

import jax
import jax.numpy as jnp
from jax.experimental import pallas as pl
from jax.experimental.pallas import tpu as pltpu

CUTOFF = 0.5
BLK_I = 256
BLK_J = 1024


def _prologue_kernel(scal_ref, z_ref, w_ref, b_ref, dd_ref, h_ref, init_ref):
    inv_mu = scal_ref[0, 0]
    neg_c2 = scal_ref[0, 1]
    h = (
        jnp.dot(z_ref[...], w_ref[...], preferred_element_type=jnp.float32)
        + b_ref[...]
    )
    h_ref[...] = h
    dd = dd_ref[...]
    delta = 1.0 / dd - inv_mu
    sens = jnp.exp2(delta * delta * neg_c2)
    coef = jnp.where(dd < CUTOFF, sens, 0.0)
    init_ref[...] = -coef * h


def _agg_kernel(scal_ref, dist_ref, h_ref, init_ref, out_ref):
    j = pl.program_id(1)
    inv_mu = scal_ref[0, 0]
    neg_c2 = scal_ref[0, 1]
    d = dist_ref[...]
    delta = 1.0 / d - inv_mu
    sens = jnp.exp2(delta * delta * neg_c2)
    w = jnp.where(d < CUTOFF, sens, 0.0)
    part = jnp.dot(w, h_ref[...], preferred_element_type=jnp.float32)

    @pl.when(j == 0)
    def _init():
        out_ref[...] = init_ref[...] + part

    @pl.when(j != 0)
    def _acc():
        out_ref[...] += part


@functools.partial(jax.jit, static_argnames=())
def kernel(z, dist_matrix, W, B, mu, sigma):
    n, d_in = z.shape
    d_out = W.shape[1]

    inv_mu = 1.0 / mu[0]
    neg_c2 = -math.log2(math.e) / (2.0 * sigma[0] * sigma[0])
    scal = jnp.stack([inv_mu, neg_c2]).reshape(1, 2)

    dd = jnp.diagonal(dist_matrix).reshape(n, 1)

    h, init = pl.pallas_call(
        _prologue_kernel,
        out_shape=(
            jax.ShapeDtypeStruct((n, d_out), jnp.float32),
            jax.ShapeDtypeStruct((n, d_out), jnp.float32),
        ),
    )(scal, z, W, B.reshape(1, d_out), dd)

    grid = (n // BLK_I, n // BLK_J)
    out = pl.pallas_call(
        _agg_kernel,
        grid=grid,
        in_specs=[
            pl.BlockSpec((1, 2), lambda i, j: (0, 0)),
            pl.BlockSpec((BLK_I, BLK_J), lambda i, j: (i, j)),
            pl.BlockSpec((BLK_J, d_out), lambda i, j: (j, 0)),
            pl.BlockSpec((BLK_I, d_out), lambda i, j: (i, 0)),
        ],
        out_specs=pl.BlockSpec((BLK_I, d_out), lambda i, j: (i, 0)),
        out_shape=jax.ShapeDtypeStruct((n, d_out), jnp.float32),
        compiler_params=pltpu.CompilerParams(
            dimension_semantics=("parallel", "arbitrary"),
        ),
    )(scal, dist_matrix, h, init)
    return out

# --- scband reference (transcript-rebuilt; emitter-appended) ---
"""Pipeline reference for scband-interaction-layer-24017457119876 (READ-ONLY COPY).

The authoritative reference and input builder live on the scoring server;
editing this copy changes nothing except your own understanding.
"""

import jax, jax.numpy as jnp
import numpy as np

CUTOFF = 0.5
N = 4096
D_IN = 128
D_OUT = 128


def setup_inputs(seed: int = 0) -> dict:
    key = jax.random.key(seed)
    k_z, k_d, k_w, k_mu, k_sig = jax.random.split(key, 5)
    z = jax.random.normal(k_z, (N, D_IN), dtype=jnp.float32)
    # uniform distances bounded away from 0 to keep r**-1 finite (rand fill)
    dist_matrix = jax.random.uniform(k_d, (N, N), dtype=jnp.float32, minval=0.05, maxval=2.0)
    W = jax.random.normal(k_w, (D_IN, D_OUT), dtype=jnp.float32)
    B = jnp.zeros((D_OUT,), dtype=jnp.float32)
    mu = jax.random.normal(k_mu, (1,), dtype=jnp.float32) * 0.2 + 1.0
    sigma = jax.random.normal(k_sig, (1,), dtype=jnp.float32) * 0.1 + 0.5
    return {"z": z, "dist_matrix": dist_matrix, "W": W, "B": B, "mu": mu, "sigma": sigma}


def reference(z, dist_matrix, W, B, mu, sigma):
    # sensitivity(r) = exp(-(r^-1 - mu^-1)^2 / (2 sigma^2)) per pair
    sens = jnp.exp(-((dist_matrix ** -1.0 - mu[0] ** -1.0) ** 2) / (2.0 * sigma[0] ** 2))
    mask = (dist_matrix < CUTOFF) & (~jnp.eye(dist_matrix.shape[0], dtype=bool))
    weights = jnp.where(mask, sens, 0.0)
    h = z @ W + B  # [N, D_OUT]
    # z_inter[i] = sum_j weights[i, j] * h[j]
    z_inter = weights @ h
    return z_inter

if __name__ == "__main__":
    import jax
    _d = setup_inputs()
    print(jax.jit(kernel)(*tuple(_d.values())))

</pallas_src>

<mosaic_0001>
module attributes {stable_mosaic.version = 14 : i64} {
  func.func @_prologue_kernel(%arg0: memref<1x2xf32, #tpu.memory_space<vmem>>, %arg1: memref<4096x128xf32, #tpu.memory_space<vmem>>, %arg2: memref<128x128xf32, #tpu.memory_space<vmem>>, %arg3: memref<1x128xf32, #tpu.memory_space<vmem>>, %arg4: memref<4096x1xf32, #tpu.memory_space<vmem>>, %arg5: memref<4096x128xf32, #tpu.memory_space<vmem>>, %arg6: memref<4096x128xf32, #tpu.memory_space<vmem>>) attributes {dimension_semantics = [], scalar_prefetch = 0 : i64, scratch_operands = 0 : i64, tpu.core_type = #tpu.core_type<tc>} {
    %get3A = arith.constant 0 : index
    %get3A_0 = arith.constant 0 : index
    %get3A_1 = vector.load %arg0[%get3A, %get3A_0] : memref<1x2xf32, #tpu.memory_space<vmem>>, vector<1x1xf32>
    %get3A_2 = vector.extract %get3A_1[0, 0] : f32 from vector<1x1xf32>
    %get3A_3 = arith.constant 0 : index
    %get3A_4 = arith.constant 1 : index
    %get3A_5 = vector.load %arg0[%get3A_3, %get3A_4] : memref<1x2xf32, #tpu.memory_space<vmem>>, vector<1x1xf32>
    %get3A_6 = vector.extract %get3A_5[0, 0] : f32 from vector<1x1xf32>
    %get3A_7 = arith.constant 0 : index
    %get3A_8 = arith.constant 0 : index
    %get3A_9 = vector.load %arg1[%get3A_7, %get3A_8] : memref<4096x128xf32, #tpu.memory_space<vmem>>, vector<4096x128xf32>
    %get3A_10 = arith.constant 0 : index
    %get3A_11 = arith.constant 0 : index
    %get3A_12 = vector.load %arg2[%get3A_10, %get3A_11] : memref<128x128xf32, #tpu.memory_space<vmem>>, vector<128x128xf32>
    %dot_general3A = arith.constant dense<0.000000e+00> : vector<4096x128xf32>
    %dot_general3A_13 = tpu.matmul %get3A_9, %get3A_12, %dot_general3A {dimension_numbers = #tpu.dot_dimension_numbers<[1], [0], [0], [1], [0, 0, 1, 1], [], []>, transpose_lhs_hint = false} : vector<4096x128xf32>, vector<128x128xf32>, vector<4096x128xf32> -> vector<4096x128xf32>
    %get3A_14 = arith.constant 0 : index
    %get3A_15 = arith.constant 0 : index
    %get3A_16 = vector.load %arg3[%get3A_14, %get3A_15] : memref<1x128xf32, #tpu.memory_space<vmem>>, vector<1x128xf32>
    %add3A = vector.broadcast %get3A_16 : vector<1x128xf32> to vector<4096x128xf32>
    %add3A_17 = arith.addf %dot_general3A_13, %add3A : vector<4096x128xf32>
    %swap3A = arith.constant 0 : index
    %swap3A_18 = arith.constant 0 : index
    %swap3A_19 = vector.load %arg5[%swap3A, %swap3A_18] : memref<4096x128xf32, #tpu.memory_space<vmem>>, vector<4096x128xf32>
    tpu.vector_store %arg5[%swap3A, %swap3A_18], %add3A_17 {strides = array<i32>} : memref<4096x128xf32, #tpu.memory_space<vmem>>, vector<4096x128xf32>,
    %get3A_20 = arith.constant 0 : index
    %get3A_21 = arith.constant 0 : index
    %get3A_22 = vector.load %arg4[%get3A_20, %get3A_21] : memref<4096x1xf32, #tpu.memory_space<vmem>>, vector<4096x1xf32>
    %div3A = arith.constant 1.000000e+00 : f32
    %div3A_23 = vector.broadcast %div3A : f32 to vector<4096x1xf32>
    %div3A_24 = arith.divf %div3A_23, %get3A_22 : vector<4096x1xf32>
    %sub3A = vector.broadcast %get3A_2 : f32 to vector<4096x1xf32>
    %sub3A_25 = arith.subf %div3A_24, %sub3A : vector<4096x1xf32>
    %mul3A = arith.mulf %sub3A_25, %sub3A_25 : vector<4096x1xf32>
    %mul3A_26 = vector.broadcast %get3A_6 : f32 to vector<4096x1xf32>
    %mul3A_27 = arith.mulf %mul3A, %mul3A_26 : vector<4096x1xf32>
    %exp23A = math.exp2 %mul3A_27 : vector<4096x1xf32>
    %lt3A = arith.constant 5.000000e-01 : f32
    %lt3A_28 = vector.broadcast %lt3A : f32 to vector<4096x1xf32>
    %lt3A_29 = arith.cmpf olt, %get3A_22, %lt3A_28 : vector<4096x1xf32>
    %jit3A = arith.constant 0.000000e+00 : f32
    %broadcast_in_dim3A = vector.broadcast %jit3A : f32 to vector<4096x1xf32>
    %select_n3A = arith.select %lt3A_29, %exp23A, %broadcast_in_dim3A : vector<4096x1xi1>, vector<4096x1xf32>
    %neg3A = arith.constant 0.000000e+00 : f32
    %neg3A_30 = vector.broadcast %neg3A : f32 to vector<4096x1xf32>
    %neg3A_31 = arith.subf %neg3A_30, %select_n3A : vector<4096x1xf32>
    %mul3A_32 = vector.broadcast %neg3A_31 : vector<4096x1xf32> to vector<4096x128xf32>
    %mul3A_33 = arith.mulf %mul3A_32, %add3A_17 : vector<4096x128xf32>
    %swap3A_34 = arith.constant 0 : index
    %swap3A_35 = arith.constant 0 : index
    %swap3A_36 = vector.load %arg6[%swap3A_34, %swap3A_35] : memref<4096x128xf32, #tpu.memory_space<vmem>>, vector<4096x128xf32>
    tpu.vector_store %arg6[%swap3A_34, %swap3A_35], %mul3A_33 {strides = array<i32>} : memref<4096x128xf32, #tpu.memory_space<vmem>>, vector<4096x128xf32>,
    return
  }
}

module attributes {stable_mosaic.version = 14 : i64} {
  func.func @_agg_kernel(%arg0: i32, %arg1: i32, %arg2: memref<1x2xf32, #tpu.memory_space<vmem>>, %arg3: memref<256x1024xf32, #tpu.memory_space<vmem>>, %arg4: memref<1024x128xf32, #tpu.memory_space<vmem>>, %arg5: memref<256x128xf32, #tpu.memory_space<vmem>>, %arg6: memref<256x128xf32, #tpu.memory_space<vmem>>) attributes {dimension_semantics = [#tpu.dimension_semantics<parallel>, #tpu.dimension_semantics<arbitrary>], iteration_bounds = array<i64: 16, 4>, scalar_prefetch = 0 : i64, scratch_operands = 0 : i64, tpu.core_type = #tpu.core_type<tc>, window_params = [{pipeline_mode = #tpu.pipeline_mode<synchronous>, transform_indices = @transform_0, window_bounds = array<i64: 1, 2>}, {transform_indices = @transform_1, window_bounds = array<i64: 256, 1024>}, {transform_indices = @transform_2, window_bounds = array<i64: 1024, 128>}, {transform_indices = @transform_3, window_bounds = array<i64: 256, 128>}, {transform_indices = @transform_4, window_bounds = array<i64: 256, 128>}]} {
    %get3A = arith.constant 0 : index
    %get3A_0 = arith.constant 0 : index
    %get3A_1 = vector.load %arg2[%get3A, %get3A_0] : memref<1x2xf32, #tpu.memory_space<vmem>>, vector<1x1xf32>
    %get3A_2 = vector.extract %get3A_1[0, 0] : f32 from vector<1x1xf32>
    %get3A_3 = arith.constant 0 : index
    %get3A_4 = arith.constant 1 : index
    %get3A_5 = vector.load %arg2[%get3A_3, %get3A_4] : memref<1x2xf32, #tpu.memory_space<vmem>>, vector<1x1xf32>
    %get3A_6 = vector.extract %get3A_5[0, 0] : f32 from vector<1x1xf32>
    %get3A_7 = arith.constant 0 : index
    %get3A_8 = arith.constant 0 : index
    %get3A_9 = vector.load %arg3[%get3A_7, %get3A_8] : memref<256x1024xf32, #tpu.memory_space<vmem>>, vector<256x1024xf32>
    %div3A = arith.constant 1.000000e+00 : f32
    %div3A_10 = vector.broadcast %div3A : f32 to vector<256x1024xf32>
    %div3A_11 = arith.divf %div3A_10, %get3A_9 : vector<256x1024xf32>
    %sub3A = vector.broadcast %get3A_2 : f32 to vector<256x1024xf32>
    %sub3A_12 = arith.subf %div3A_11, %sub3A : vector<256x1024xf32>
    %mul3A = arith.mulf %sub3A_12, %sub3A_12 : vector<256x1024xf32>
    %mul3A_13 = vector.broadcast %get3A_6 : f32 to vector<256x1024xf32>
    %mul3A_14 = arith.mulf %mul3A, %mul3A_13 : vector<256x1024xf32>
    %exp23A = math.exp2 %mul3A_14 : vector<256x1024xf32>
    %lt3A = arith.constant 5.000000e-01 : f32
    %lt3A_15 = vector.broadcast %lt3A : f32 to vector<256x1024xf32>
    %lt3A_16 = arith.cmpf olt, %get3A_9, %lt3A_15 : vector<256x1024xf32>
    %jit3A = arith.constant 0.000000e+00 : f32
    %broadcast_in_dim3A = vector.broadcast %jit3A : f32 to vector<256x1024xf32>
    %select_n3A = arith.select %lt3A_16, %exp23A, %broadcast_in_dim3A : vector<256x1024xi1>, vector<256x1024xf32>
    %get3A_17 = arith.constant 0 : index
    %get3A_18 = arith.constant 0 : index
    %get3A_19 = vector.load %arg4[%get3A_17, %get3A_18] : memref<1024x128xf32, #tpu.memory_space<vmem>>, vector<1024x128xf32>
    %dot_general3A = arith.constant dense<0.000000e+00> : vector<256x128xf32>
    %dot_general3A_20 = tpu.matmul %select_n3A, %get3A_19, %dot_general3A {dimension_numbers = #tpu.dot_dimension_numbers<[1], [0], [0], [1], [0, 0, 1, 1], [], []>, transpose_lhs_hint = false} : vector<256x1024xf32>, vector<1024x128xf32>, vector<256x128xf32> -> vector<256x128xf32>
    %eq3A = arith.constant 0 : i32
    %eq3A_21 = arith.cmpi eq, %arg1, %eq3A : i32
    %convert_element_type3A = arith.extui %eq3A_21 : i1 to i32
    %cond3A = arith.constant 0 : i32
    %cond3A_22 = arith.cmpi ne, %convert_element_type3A, %cond3A : i32
    scf.if %cond3A_22 {
      %get3A_27 = arith.constant 0 : index
      %get3A_28 = arith.constant 0 : index
      %get3A_29 = vector.load %arg5[%get3A_27, %get3A_28] : memref<256x128xf32, #tpu.memory_space<vmem>>, vector<256x128xf32>
      %add3A = arith.addf %get3A_29, %dot_general3A_20 : vector<256x128xf32>
      %swap3A = arith.constant 0 : index
      %swap3A_30 = arith.constant 0 : index
      %swap3A_31 = vector.load %arg6[%swap3A, %swap3A_30] : memref<256x128xf32, #tpu.memory_space<vmem>>, vector<256x128xf32>
      tpu.vector_store %arg6[%swap3A, %swap3A_30], %add3A {strides = array<i32>} : memref<256x128xf32, #tpu.memory_space<vmem>>, vector<256x128xf32>,
    } else {
    }
    %ne3A = arith.constant 0 : i32
    %ne3A_23 = arith.cmpi ne, %arg1, %ne3A : i32
    %convert_element_type3A_24 = arith.extui %ne3A_23 : i1 to i32
    %cond3A_25 = arith.constant 0 : i32
    %cond3A_26 = arith.cmpi ne, %convert_element_type3A_24, %cond3A_25 : i32
    scf.if %cond3A_26 {
      %get3A_27 = arith.constant 0 : index
      %get3A_28 = arith.constant 0 : index
      %get3A_29 = vector.load %arg6[%get3A_27, %get3A_28] : memref<256x128xf32, #tpu.memory_space<vmem>>, vector<256x128xf32>
      %add3A = arith.addf %get3A_29, %dot_general3A_20 : vector<256x128xf32>
      %swap3A = arith.constant 0 : index
      %swap3A_30 = arith.constant 0 : index
      %swap3A_31 = vector.load %arg6[%swap3A, %swap3A_30] : memref<256x128xf32, #tpu.memory_space<vmem>>, vector<256x128xf32>
      tpu.vector_store %arg6[%swap3A, %swap3A_30], %add3A {strides = array<i32>} : memref<256x128xf32, #tpu.memory_space<vmem>>, vector<256x128xf32>,
    } else {
    }
    return
  }
  func.func @transform_0(%arg0: i32, %arg1: i32) -> (i32, i32) {
    %c0_i32 = arith.constant 0 : i32
    %c0_i32_0 = arith.constant 0 : i32
    %c0_i32_1 = arith.constant 0 : i32
    return %c0_i32, %c0_i32_0 : i32, i32
  }
  func.func @transform_1(%arg0: i32, %arg1: i32) -> (i32, i32) {
    %c0_i32 = arith.constant 0 : i32
    return %arg0, %arg1 : i32, i32
  }
  func.func @transform_2(%arg0: i32, %arg1: i32) -> (i32, i32) {
    %c0_i32 = arith.constant 0 : i32
    %c0_i32_0 = arith.constant 0 : i32
    return %arg1, %c0_i32 : i32, i32
  }
  func.func @transform_3(%arg0: i32, %arg1: i32) -> (i32, i32) {
    %c0_i32 = arith.constant 0 : i32
    %c0_i32_0 = arith.constant 0 : i32
    return %arg0, %c0_i32 : i32, i32
  }
  func.func @transform_4(%arg0: i32, %arg1: i32) -> (i32, i32) {
    %c0_i32 = arith.constant 0 : i32
    %c0_i32_0 = arith.constant 0 : i32
    return %arg0, %c0_i32 : i32, i32
  }
}

</mosaic_0001>

<sc_bundles>
// kernel: gather_offload_async_start
scs
__scs_entry_jumppad:
0x0: {  	(pc) =	sbr.rel $0x88, $3  }
0x1: {  	(tag) =	ssettag $0x0;
	lr =	simm.s32 $0x1  }
0x2: {  	[smem:$0x3F9B] =	sst lr;
	_ =	strace $0xD0000000  }
0x3: {  	_ = 	snop  }
0x4: {  	_ = 	snop  }
0x5: {  	_ = 	snop  }
0x6: {  	_ = 	snop  }
0x7: {  	_ = 	snop  }
__scs_overlays_trampoline_lowered:
0x8: {  	[smem:$0x3FAA] =	sst s0  }
0x9: {  	[smem:$0x3FAB] =	sst s1  }
0xa: {  	[smem:$0x3FAC] =	sst s2  }
0xb: {  	[smem:$0x3FAD] =	sst s3  }
0xc: {  	[smem:$0x3FAE] =	sst s4  }
0xd: {  	[smem:$0x3FAF] =	sst s5  }
0xe: {  	[smem:$0x3FB0] =	sst s6  }
0xf: {  	[smem:$0x3FB1] =	sst s7  }
0x10: {  	[smem:$0x3FB2] =	sst s8  }
0x11: {  	[smem:$0x3FB3] =	sst s9;
	s0 =	simm.s32 @!p0 $0x0  }
0x12: {  	s1 =	sld [smem:$0x3F99];
	s0 =	simm.s32 @p0 $0x1  }
0x13: {  	[smem:$0x3FB4] =	sst s0;
	s0 =	simm.s32 @!p1 $0x0  }
0x14: {  	s2 =	sld [smem:$0x3F98];
	s0 =	simm.s32 @p1 $0x1  }
0x15: {  	[smem:$0x3FB5] =	sst s0;
	s0 =	simm.s32 @!p2 $0x0  }
0x16: {  	s3 =	sld [smem:$0x3FDB];
	s0 =	simm.s32 @p2 $0x1  }
0x17: {  	s4 =	simm.s32 $0x1BF5;
	[smem:$0x3FB7] =	sst s0  }
0x18: {  	s0 =	sld [smem:$0x3F9A];
	_ =	swait.ge [sflag:s4], $0x0  }
0x19: {  	s7 =	sld [smem:$0x3F9B]  }
0x1a: {  	s8 =	sadd.s32 $0xFFFFE003, lr  }
0x1b: {  	s9 =	sadd.s32 $0xFFFFFEF7, lr;
	s5 =	simm.s32 $0xFFFFFFFF;
	p2 =	slt.u32 s8, $0xFFFFF086  }
0x1c: {  	p1 =	slt.u32 s9, $0xF7A;
	s5 =	simm.s32 @!p2 $0x0  }
0x1d: {  	s5 =	simm.s32 @p1 $0x1;
	p0 =	seq.s32 s7, s2  }
0x1e: {  	s7 =	smul.u32 @!p0 $0xF7A, s2;
	p2 =	seq.s32 @!p0 s5, $0x0  }
0x1f: {  	s9 =	smul.u32 $0xF7A, s1;
	s8 =	simm.s32 @!p0 $0x1BF5;
	p2 =	por !p2, p0  }
0x20: {  	[sflag:s8] =	ssyncset.s32 @!p0 $0xFFFFF086;
	s6 =	sadd.s32 @!p0 s3, s7;
	s7 =	simm.s32 @!p0 $0x108  }
0x21: {  	s3 =	sadd.s32 s3, s9;
	s6 =	sadd.s32 @!p0 $0x88, s6;
	s7 =	simm.s32 @p2 $0x1082  }
0x22: {  	[simem:s7], [sflag:s8] =	dma.local @!p0 [hbm:s6], $0xF7A  }
0x23: {  	s9 =	sor.u32 $0xD0000000, s2;
	s6 =	simm.s32 $0x108;
	_ =	swait.ge @!p0 [sflag:s8], $0x0  }
0x24: {  	s3 =	sadd.s32 $0x88, s3;
	s6 =	simm.s32 @!p1 $0x1082;
	[sflag:s4] =	ssyncset.s32 $0xFFFFF086  }
0x25: {  	[simem:s6], [sflag:s4] =	dma.local [hbm:s3], $0xF7A  }
0x26: {  	[smem:$0x3F9B] =	sst s1;
	(tag) =	ssettag s2;
	_ =	strace s9  }
0x27: {  	s1 =	sld [smem:$0x3FAB]  }
0x28: {  	s2 =	sld [smem:$0x3FAC]  }
0x29: {  	s4 =	sld [smem:$0x3FAE]  }
0x2a: {  	p0 =	seq.s32 s5, $0x0;
	s5 =	sld [smem:$0x3FAF]  }
0x2b: {  	s6 =	sld [smem:$0x3FB0]  }
0x2c: {  	s7 =	sld [smem:$0x3FB1]  }
0x2d: {  	s3 =	simm.s32 $0x108;
	s8 =	sld [smem:$0x3FB2]  }
0x2e: {  	s3 =	simm.s32 @!p0 $0x1082;
	s9 =	sld [smem:$0x3FB3]  }
0x2f: {  	lr =	sadd.s32 s0, s3;
	s0 =	sld [smem:$0x3FAA]  }
0x30: {  	s3 =	sld [smem:$0x3FAD]  }
0x31: {  	[smem:$0x3FB6] =	sst s10  }
0x32: {  	s10 =	sld [smem:$0x3FB4];
	_ =	sdelay $0x3  }
0x33: {  	p0 =	seq.s32 s10, $0x1;
	s10 =	sld [smem:$0x3FB6];
	_ =	sdelay $0x3  }
0x34: {  	[smem:$0x3FB6] =	sst s10  }
0x35: {  	s10 =	sld [smem:$0x3FB5];
	_ =	sdelay $0x3  }
0x36: {  	p1 =	seq.s32 s10, $0x1;
	s10 =	sld [smem:$0x3FB6];
	_ =	sdelay $0x3  }
0x37: {  	[smem:$0x3FB6] =	sst s10  }
0x38: {  	s10 =	sld [smem:$0x3FB7]  }
0x39: {  	_ = 	snop;
	(pc) =	sbr.ind lr, $3  }
0x3a: {  	_ = 	snop  }
0x3b: {  	_ = 	snop  }
0x3c: {  	p2 =	seq.s32 s10, $0x1;
	s10 =	sld [smem:$0x3FB6]  }
0x3d: {  	_ =	shalt  }
0x3e: {  	_ =	shalt  }
0x3f: {  	_ =	shalt  }
0x40: {  	_ =	shalt  }
0x41: {  	_ =	shalt  }
0x42: {  	_ =	shalt  }
0x43: {  	_ =	shalt  }
0x44: {  	_ =	shalt  }
0x45: {  	_ =	shalt  }
0x46: {  	_ =	shalt  }
0x47: {  	_ =	shalt  }
0x48: {  	_ =	shalt  }
0x49: {  	_ =	shalt  }
0x4a: {  	_ =	shalt  }
0x4b: {  	_ =	shalt  }
0x4c: {  	_ =	shalt  }
0x4d: {  	_ =	shalt  }
0x4e: {  	_ =	shalt  }
0x4f: {  	_ =	shalt  }
0x50: {  	_ =	shalt  }
0x51: {  	_ =	shalt  }
0x52: {  	_ =	shalt  }
0x53: {  	_ =	shalt  }
0x54: {  	_ =	shalt  }
0x55: {  	_ =	shalt  }
0x56: {  	_ =	shalt  }
0x57: {  	_ =	shalt  }
0x58: {  	_ =	shalt  }
0x59: {  	_ =	shalt  }
0x5a: {  	_ =	shalt  }
0x5b: {  	_ =	shalt  }
0x5c: {  	_ =	shalt  }
0x5d: {  	_ =	shalt  }
0x5e: {  	_ =	shalt  }
0x5f: {  	_ =	shalt  }
0x60: {  	_ =	shalt  }
0x61: {  	_ =	shalt  }
0x62: {  	_ =	shalt  }
0x63: {  	_ =	shalt  }
0x64: {  	_ =	shalt  }
0x65: {  	_ =	shalt  }
0x66: {  	_ =	shalt  }
0x67: {  	_ =	shalt  }
0x68: {  	_ =	shalt  }
0x69: {  	_ =	shalt  }
0x6a: {  	_ =	shalt  }
0x6b: {  	_ =	shalt  }
0x6c: {  	_ =	shalt  }
0x6d: {  	_ =	shalt  }
0x6e: {  	_ =	shalt  }
0x6f: {  	_ =	shalt  }
0x70: {  	_ =	shalt  }
0x71: {  	_ =	shalt  }
0x72: {  	_ =	shalt  }
0x73: {  	_ =	shalt  }
0x74: {  	_ =	shalt  }
0x75: {  	_ =	shalt  }
0x76: {  	_ =	shalt  }
0x77: {  	_ =	shalt  }
0x78: {  	_ =	shalt  }
0x79: {  	_ =	shalt  }
0x7a: {  	_ =	shalt  }
0x7b: {  	_ =	shalt  }
0x7c: {  	_ =	shalt  }
0x7d: {  	_ =	shalt  }
0x7e: {  	_ =	shalt  }
0x7f: {  	_ =	shalt  }
0x80: {  	_ =	shalt  }
0x81: {  	_ =	shalt  }
0x82: {  	_ =	shalt  }
0x83: {  	_ =	shalt  }
0x84: {  	_ =	shalt  }
0x85: {  	_ =	shalt  }
0x86: {  	_ =	shalt  }
0x87: {  	_ =	shalt  }
.Lfunc_end0:
.L_simem_size_0:
called_computation_lowered:
.L_overlay_start_0:
0x88: {  	s2 =	sld [smem:$0x3FD9]  }
0x89: {  	s3 =	sld [smem:$0x3FFE];
	_ =	sdelay $0x1  }
0x8a: {  	s1 =	srdreg.scid  }
0x8b: {  	s0 =	sand.u32 $0x1, s1  }
0x8c: {  	s17 =	sshll.u32 s0, $0xA;
	s2 =	sadd.s32 s3, s2  }
0x8d: {  	s2 =	sadd.s32 s2, s17  }
0x8e: {  	[smem:$0x3FC2] =	sst s2  }
0x8f: {  	_ = 	snop  }
0x90: {  	s2 =	sld [smem:$0x3FC8]  }
0x91: {  	s18 =	sld [smem:$0x3FD0];
	(tm) =	ssettm $0x1  }
0x92: {  	s4 =	sld [smem:$0x3FFB];
	_ =	sdelay $0x3  }
0x93: {  	_ =	strace s4  }
0x94: {  	s4 =	sld [smem:$0x3FFC];
	_ =	sdelay $0x3  }
0x95: {  	_ =	strace s4  }
0x96: {  	s4 =	sld [smem:$0x3FFD];
	_ =	sdelay $0x3  }
0x97: {  	_ =	strace s4  }
0x98: {  	_ =	strace $0x8FFFFFFF  }
0x99: {  	s19 =	sld [smem:$0x3FDB];
	_ =	sdelay $0x1  }
0x9a: {  	s5 =	simm.s32 $_scs_section_size  }
0x9b: {  	s6 =	simm.s32 $_size__tile_overlayer_lowered;
	s7 =	simm.s32 $_tile_overlayer_lowered  }
0x9c: {  	s22 =	simm.s32 $0x1BFF;
	s21 =	sshll.u32 s7, $0x1;
	s4 =	sadd.s32 s5, s19  }
0x9d: {  	s8 =	simm.s32 $0x0;
	s20 =	sshll.u32 s6, $0x1;
	s6 =	sadd.s32 s21, s4  }
0x9e: {  	[timem:s8], [sflag:s22] =	dma.local [hbm:s6], s20  }
0x9f: {  	_ =	swait.ge [sflag:s22], s20  }
0xa0: {  	s5 =	ssub.s32 $0x0, s20;
	[sflag:s22] =	ssyncset.done $0x0  }
0xa1: {  	[sflag:s22] =	ssyncadd.s32 s5;
	_ =	sdelay $0x1  }
0xa2: {  	s23 =	simm.s32 $0x1B8B  }
0xa3: {  	_ =	swait.ge [sflag:s23], $0x1  }
0xa4: {  	[sflag:s23] =	ssyncset.done $0x0  }
0xa5: {  	s25 =	simm.s32 $0x1B8E;
	s24 =	sld [smem:$0x3FFE];
	[sflag:s23] =	ssyncadd.s32 $0xFFFFFFFF  }
0xa6: {  	s26 =	simm.s32 $execute0_lowered;
	[smem:$0x3FD2] =	sst s25  }
0xa7: {  	s6 =	sshll.u32 s26, $0x1;
	_ =	strace $0x80000046;
	[dreg:$0x1] =	wrdreg $0xFFFFFFFF  }
0xa8: {  	s28 =	simm.s32 $_size_execute0_lowered;
	s4 =	sadd.s32 s4, s6;
	[dreg:$0x0] =	wrdreg $0x0  }
0xa9: {  	s6 =	sshll.u32 s28, $0x1;
	[dreg:$0x2] =	wrdreg s4  }
0xaa: {  	[dreg:$0x3] =	wrdreg s6  }
0xab: {  	[dreg:$0x4] =	wrdreg $0xC0  }
0xac: {  	_ =	task [dreg:s8], $0x5FFFF  }
0xad: {  	[dreg:$0x1] =	wrdreg $0xFFFFFFFF  }
0xae: {  	[dreg:$0x0] =	wrdreg $0x60  }
0xaf: {  	[dreg:$0x2] =	wrdreg s2  }
0xb0: {  	[dreg:$0x3] =	wrdreg s18  }
0xb1: {  	[dreg:$0x4] =	wrdreg s24  }
0xb2: {  	[dreg:$0x5] =	wrdreg $0x9  }
0xb3: {  	_ =	task.clear_ibuf [dreg:s8], $0x6FFFF;
	_ =	strace $0x90000046  }
0xb4: {  	s29 =	simm.s32 $0x9;
	_ =	strace $0x80000048  }
0xb5: {  	_ =	swait.ge [sflag:s29], $0x1  }
0xb6: {  	[sflag:s29] =	ssyncadd.s32 $0xFFFFFFFF  }
0xb7: {  	_ =	strace $0x90000048  }
0xb8: {  	_ =	sfence  }
0xb9: {  	s30 =	sld [smem:$0x0];
	_ =	sdelay $0x2  }
0xba: {  	s31 =	sshll.u32 s1, $0xD;
	s1 =	sshrl.u32 s1, $0x2  }
0xbb: {  	s3 =	sand.u32 $0x4000, s31;
	s1 =	sadd.s32 s1, s30  }
0xbc: {  	s0 =	sor.u32 s3, s0;
	s1 =	sshll.u32 s1, $0x11  }
0xbd: {  	s0 =	sor.u32 s1, s0  }
0xbe: {  	s0 =	sadd.s32 $0x8F2B, s0  }
0xbf: {  	[sflag:s0] =	ssyncadd.remote.s32 $0x1  }
0xc0: {  	_ =	sfence.sel $0xFFFF  }
0xc1: {  	[dreg:$0x0] =	wrdreg $0xFFFFFFFF;
	(pc) =	sbr.abs _section_cstart, $3  }
0xc2: {  	[dreg:$0x1] =	wrdreg $0xFFFFFFFF  }
0xc3: {  	_ =	task.clear_ibuf [dreg:s8], $0x2FFFF;
	_ =	strace $0x9FFFFFFF  }
0xc4: {  	(tm) =	ssettm $0x7FFFFFFF  }
0xc5: {  	_ =	shalt  }
tec
execute0_lowered:
.L_overlay_start_1:
0x0: {  	(tag) =	ssettag $0x1  }
0x1: {  	s2 =	rddreg [dreg:$0x0]  }
0x2: {  	s1 =	srdreg.scid;
	s3 =	rddreg [dreg:$0x1]  }
0x3: {  	s0 =	stileid.u32;
	s5 =	rddreg [dreg:$0x2]  }
0x4: {  	s9 =	simm.s32 $0x1;
	s10 =	simm.s32 $0x3;
	s1 =	sshll.u32 s1, $0x6  }
0x5: {  	s13 =	simm.s32 $0x0;
	s4 =	sshll.u32 s0, $0x7;
	s6 =	sand.u32 $0x40, s1  }
0x6: {  	s12 =	simm.s32 $0x0;
	s5 =	sadd.s32 $0xE00, s5;
	s4 =	sor.u32 s4, s6  }
0x7: {  	s1 =	rddreg [dreg:$0x3];
	_ =	strace $0x80000047;
	s8 =	ssub.s32 $0x1000, s4  }
.Ltmp0:
0x8: {  	s6 =	simm.s32 $0x1;
	s7 =	sand.u32 $0x7C0, s8;
	(pc) =	sbr.rel .LBB2_1-.Ltmp0, $4  }
0x9: {  	[sflag:s6] =	ssyncpa.u1 $0x0;
	s11 =	smov.u32 s4;
	p0 =	sne.s32 s7, $0x0  }
0xa: {  	s8 =	sshrl.u32 s8, $0xB;
	s7 =	simm.s32 $0x2;
	s9 =	simm.s32 @!p0 $0x0  }
0xb: {  	[sflag:s7] =	ssyncpa.u1 $0x0;
	p0 =	por $0x0, $0x0;
	s8 =	sadd.s32 s9, s8  }
0xc: {  	vm0 =	vmmov $0xffff;
	[sflag:s10] =	ssyncpa.u1 $0x0;
	s10 =	simm.s32 $0x0;
	s9 =	sadd.s32 $0x1, s8  }
.LBB2_4:
0xd: {  	vm1 =	veq.s32 v0, $0x80000000;
	v63 =	vand.u32 $0xFFF, v0;
	v2 =	vand.u32 $0xFFF, v2  }
0xe: {  	v0 =	vsel vm1, $0xFFFFFFFF, v63;
	v2 =	vsel vm1, $0xFFFFFFFF, v2  }
0xf: {  	v3 =	vshll.u32 v0, $0xC;
	v4 =	vshll.u32 v2, $0x3  }
0x10: {  	v0 =	vshll.u32 v0, $0x7;
	v3 =	vand.u32 $0xFFFF8000, v3;
	v4 =	vand.u32 $0xFFFFFC00, v4  }
0x11: {  	v0 =	vand.u32 $0x380, v0;
	v3 =	vadd.s32 v3, v4  }
0x12: {  	v2 =	vand.u32 $0x7F, v2;
	v0 =	vor.u32 v0, v3  }
0x13: {  	v0 =	vor.u32 v2, v0;
	_ =	sdelay $0x1  }
0x14: {  	(ifvalue) =	ssetifvalue $0x7FFFFFFF;
	s14 =	sadd.s32 $0x10, s14  }
0x15: {  	[tilespmem:s14], [sflag:$0x1] =	stream.indirect_vreg.gather [hbm4b:s2+s10], $0x1, v1, vm0, $0x4038;
	[tilespmem:$0x100] =	vst v63  }
0x16: {  	(ifvalue) =	ssetifvalue $0x7FFFFFFF;
	s14 =	sadd.s32 $0x10, s14  }
0x17: {  	[tilespmem:s14], [sflag:$0x1] =	stream.indirect_vreg.gather [hbm4b:s2+s10], $0x1, v0, vm0, $0x4038;
	[tilespmem:$0x100] =	vst v63  }
0x18: {  	_ =	swait.ge [sflag:s6], $0x40  }
0x19: {  	s30 =	sshrl.u32 s13, $0x3;
	[sflag:s6] =	ssyncset.done $0x0  }
0x1a: {  	s31 =	sand.u32 $0x7, s13;
	s14 =	sadd.s32 s5, s30;
	[sflag:s6] =	ssyncadd.s32 $0xFFFFFFC0  }
0x1b: {  	[hbm4b:s14+s31] =	stream.linear.scatter [tilespmem:s15], [sflag:$0x3], $0x40, $0x38;
	[tilespmem:$0x100] =	vst v63  }
.LBB2_5:
0x1c: {  	s15 =	sadd.s32 $0x800, s11  }
0x1d: {  	p2 =	sgt.s32 s15, $0xFFF  }
0x1e: {  	s15 =	smov.u32 @p2 s4;
	p2 =	sne.s32 s12, s9  }
.Ltmp1:
0x1f: {  	p1 =	slt.u32 s12, $0x2;
	(pc) =	sbr.rel @!p2 .LBB2_6-.Ltmp1, $4  }
0x20: {  	s14 =	simm.s32 @!p1 $0x3  }
0x21: {  	s16 =	sadd.s32 $0x1, s12;
	_ =	swait.ge @!p1 [sflag:s14], $0x40  }
0x22: {  	s13 =	smov.u32 s11;
	p0 =	por !p0, !p0;
	[sflag:s14] =	ssyncset.done @!p1 $0x0  }
0x23: {  	s12 =	smov.u32 s16;
	s11 =	smov.u32 s15;
	[sflag:s14] =	ssyncadd.s32 @!p1 $0xFFFFFFC0  }
.LBB2_1:
0x24: {  	p1 =	sge.u32 s12, s8  }
0x25: {  	s14 =	sxor.u32 @!p1 $0xFFFFFFFF, s12  }
0x26: {  	s31 =	sadd.s32 $0xFFFFFFFF, s12;
	s15 =	sshrl.u32 @!p1 s11, $0x3;
	s14 =	sshll.u32 @!p1 s14, $0x6  }
0x27: {  	s16 =	sand.u32 @!p1 $0x7, s11;
	s15 =	sadd.s32 @!p1 s3, s15;
	s14 =	sand.u32 @!p1 $0x40, s14  }
0x28: {  	[tilespmem:s14], [sflag:$0x2] =	stream.linear.gather @!p1 [hbm4b:s15+s16], $0x40, $0x38;
	[tilespmem:$0x100] =	vst v63  }
0x29: {  	p1 =	sge.u32 s31, s8  }
.Ltmp2:
0x2a: {  	_ = 	snop;
	(pc) =	sbr.rel @p1 .LBB2_5-.Ltmp2, $1  }
0x2b: {  	_ =	sdelay $0x3  }
0x2c: {  	s14 =	simm.s32 $0x1  }
0x2d: {  	_ =	swait.ge [sflag:s7], $0x40;
	s14 =	simm.s32 @!p0 $0x0  }
0x2e: {  	[sflag:s7] =	ssyncset.done $0x0;
	s14 =	sshll.u32 s14, $0x6  }
0x2f: {  	[sflag:s7] =	ssyncadd.s32 $0xFFFFFFC0;
	(ifvalue) =	ssetifvalue $0x7FFFFFFF;
	v0 =	vld.msk [tilespmem:s14+$0x0 ss:$0x1], $0xffff;
	_ =	sdelay $0x3  }
0x30: {  	s15 =	sadd.s32 $0x10, s14  }
0x31: {  	v2 =	vld.msk [tilespmem:s15+$0x0 ss:$0x1], $0xffff;
	v1 =	vshrl.u32 v0, $0xC  }
0x32: {  	vm1 =	veq.s32 v0, $0x80000000;
	v0 =	vand.u32 $0xFFF, v0;
	v1 =	vand.u32 $0xFFF, v1  }
0x33: {  	v0 =	vsel vm1, $0xFFFFFFFF, v0;
	v1 =	vsel vm1, $0xFFFFFFFF, v1  }
0x34: {  	v3 =	vshll.u32 v0, $0xC;
	v4 =	vshll.u32 v1, $0x3  }
0x35: {  	v0 =	vshll.u32 v0, $0x7;
	v3 =	vand.u32 $0xFFFF8000, v3;
	v4 =	vand.u32 $0xFFFFFC00, v4  }
0x36: {  	vm1 =	veq.s32 v2, $0x80000000;
	v0 =	vand.u32 $0x380, v0;
	v3 =	vadd.s32 v3, v4  }
0x37: {  	v1 =	vand.u32 $0x7F, v1;
	v0 =	vor.u32 v0, v3;
	v3 =	vshrl.u32 v2, $0xC  }
0x38: {  	s17 =	sadd.s32 $0x10, s15;
	v2 =	vand.u32 $0xFFF, v2;
	v1 =	vor.u32 v1, v0;
	v3 =	vand.u32 $0xFFF, v3  }
0x39: {  	v0 =	vld.msk [tilespmem:s17+$0x0 ss:$0x1], $0xffff;
	v2 =	vsel vm1, $0xFFFFFFFF, v2;
	v3 =	vsel vm1, $0xFFFFFFFF, v3  }
0x3a: {  	v63 =	vshll.u32 v2, $0xC;
	v5 =	vshll.u32 v3, $0x3  }
0x3b: {  	s31 =	sshll.u32 s12, $0x6;
	v2 =	vshll.u32 v2, $0x7;
	v4 =	vand.u32 $0xFFFF8000, v63;
	v5 =	vand.u32 $0xFFFFFC00, v5  }
0x3c: {  	s14 =	sor.u32 $0x80, s14;
	s15 =	sand.u32 $0x40, s31;
	(ifvalue) =	ssetifvalue $0x7FFFFFFF;
	v2 =	vand.u32 $0x380, v2;
	v4 =	vadd.s32 v4, v5  }
0x3d: {  	[tilespmem:s14], [sflag:$0x1] =	stream.indirect_vreg.gather [hbm4b:s2+s10], $0x1, v1, vm0, $0x4038;
	v1 =	vand.u32 $0x7F, v3;
	v3 =	vor.u32 v2, v4;
	[tilespmem:$0x100] =	vst v63  }
0x3e: {  	s16 =	simm.s32 $0x20;
	s15 =	sor.u32 $0x80, s15;
	s17 =	sadd.s32 $0x10, s17;
	v2 =	vshrl.u32 v0, $0xC;
	v1 =	vor.u32 v1, v3  }
.LBB2_3:
0x3f: {  	s16 =	sadd.s32 $0x10, s16;
	vm1 =	veq.s32 v0, $0x80000000;
	v3 =	vand.u32 $0xFFF, v0;
	v0 =	vld.msk [tilespmem:s17+$0x0 ss:$0x1], $0xffff;
	v2 =	vand.u32 $0xFFF, v2  }
0x40: {  	p1 =	slt.u32 s16, $0x30;
	v3 =	vsel vm1, $0xFFFFFFFF, v3;
	v2 =	vsel vm1, $0xFFFFFFFF, v2  }
.Ltmp3:
0x41: {  	v4 =	vshll.u32 v3, $0xC;
	v5 =	vshll.u32 v2, $0x3;
	(pc) =	sbr.rel @p1 .LBB2_3-.Ltmp3, $4  }
0x42: {  	s14 =	sadd.s32 $0x10, s14;
	v3 =	vshll.u32 v3, $0x7;
	v4 =	vand.u32 $0xFFFF8000, v4;
	v5 =	vand.u32 $0xFFFFFC00, v5;
	(ifvalue) =	ssetifvalue $0x7FFFFFFF  }
0x43: {  	v3 =	vand.u32 $0x380, v3;
	v4 =	vadd.s32 v4, v5;
	[tilespmem:s14], [sflag:$0x1] =	stream.indirect_vreg.gather [hbm4b:s2+s10], $0x1, v1, vm0, $0x4038;
	[tilespmem:$0x100] =	vst v63  }
0x44: {  	v1 =	vand.u32 $0x7F, v2;
	v3 =	vor.u32 v3, v4  }
0x45: {  	s17 =	sadd.s32 $0x10, s17;
	v2 =	vshrl.u32 v0, $0xC;
	v1 =	vor.u32 v1, v3  }
.Ltmp4:
0x46: {  	_ = 	snop;
	(pc) =	sbr.rel .LBB2_4-.Ltmp4, $1  }
0x47: {  	_ =	sdelay $0x3  }
.LBB2_6:
0x48: {  	_ =	sfence.sel $0x180000  }
0x49: {  	s2 =	simm.s32 $0x2;
	[bflag:$0x0] =	sbarrier.arrive $0xFFFF  }
0x4a: {  	s30 =	simm.s32 $0x3;
	[sflag:s2] =	ssyncpa.u1 $0x1  }
0x4b: {  	s31 =	simm.s32 $0x1;
	[sflag:s30] =	ssyncpa.u1 $0x1  }
0x4c: {  	[sflag:s31] =	ssyncpa.u1 $0x1  }
0x4d: {  	p0 =	sne.s32 s0, $0x0;
	_ =	strace $0x90000047  }
0x4e: {  	s0 =	sadd.s32 @!p0 $0x100000, s1;
	[bflag:$0x2] =	sbarrier.arrive $0xFFFF  }
0x4f: {  	[sflag:s0] =	ssyncadd.tile.s32 @!p0 $0x1;
	_ =	shalt  }
.Lfunc_end2:
_tile_overlayer_lowered:
.L_overlay_start_2:
0x50: {  	(tag) =	ssettag $0x2  }
0x51: {  	s0 =	rddreg [dreg:$0x0];
	s2 =	stileid.u32  }
0x52: {  	s1 =	rddreg [dreg:$0x1];
	p0 =	sne.s32 s2, $0x0  }
0x53: {  	s3 =	rddreg [dreg:$0x2];
	[bflag:$0x3] =	sbarrier.arrive $0xFFFF;
	s2 =	simm.s32 @!p0 $0x1C01  }
0x54: {  	[timem:s3], [sflag:s2] =	dma.local @!p0 [hbm:s0], s1  }
0x55: {  	s0 =	simm.s32 @!p0 $0x1  }
0x56: {  	_ =	swait.ge @!p0 [sflag:s0], s1  }
0x57: {  	s1 =	ssub.s32 @!p0 $0x0, s1;
	[sflag:s0] =	ssyncset.done @!p0 $0x0  }
0x58: {  	[sflag:s0] =	ssyncadd.s32 @!p0 s1  }
0x59: {  	[bflag:$0x3] =	sbarrier.arrive $0xFFFF  }
0x5a: {  	_ =	shalt  }

</sc_bundles>
